<compile_context>
chip_gen: v7x
topology: tpu7x:2x2x1
jax: 0.10.2.dev20260603
libtpu: 0.0.44.dev20260713+nightly
codegen_flags: <defaults>
</compile_context>

<pallas_src>
import functools

import jax
import jax.numpy as jnp
from jax import lax
from jax.experimental import pallas as pl
from jax.experimental.pallas import tpu as pltpu
from jax.experimental.pallas import tpu_sc as plsc

E = 64
K = 512
N = 4096
G = 4
BIG = 3.0e38
BN = 512


def _vq_body(f_ref, wt_ref, w_ref, j_ref, loss_ref, wpad_ref, wsq_ref):
    @pl.when(pl.program_id(0) == 0)
    def _():
        wt0 = wt_ref[...]
        wsq_ref[...] = jnp.sum(wt0 * wt0, axis=0, keepdims=True)
        wpad_ref[...] = jnp.pad(w_ref[...], ((0, 0), (0, _EP - E)))

    f = f_ref[...]
    wt = wt_ref[...]
    w = w_ref[...]
    prod = lax.dot_general(
        f, wt, (((1,), (0,)), ((), ())),
        preferred_element_type=jnp.float32,
        precision=lax.Precision.HIGHEST)
    d = wsq_ref[...] - 2.0 * prod

    idx = lax.broadcasted_iota(jnp.int32, (BN, K), 1).astype(jnp.float32)
    minv = jnp.min(d, axis=1, keepdims=True)
    c1 = jnp.min(jnp.where(d == minv, idx, K), axis=1, keepdims=True)
    d2 = jnp.where(idx == c1, BIG, d)
    minv2 = jnp.min(d2, axis=1, keepdims=True)
    c2 = jnp.min(jnp.where(d2 == minv2, idx, K), axis=1, keepdims=True)

    cl = jnp.minimum(c1, c2)
    ch = jnp.maximum(c1, c2)

    oh_l = (idx == cl).astype(jnp.float32)
    oh_h = (idx == ch).astype(jnp.float32)
    w_l = lax.dot_general(oh_l, w, (((1,), (0,)), ((), ())),
                          preferred_element_type=jnp.float32,
                          precision=lax.Precision.HIGHEST)
    w_h = lax.dot_general(oh_h, w, (((1,), (0,)), ((), ())),
                          preferred_element_type=jnp.float32,
                          precision=lax.Precision.HIGHEST)
    dl = jnp.sum((f - w_l) ** 2, axis=1, keepdims=True)
    dh = jnp.sum((f - w_h) ** 2, axis=1, keepdims=True)
    take_h = dh < dl
    j = jnp.where(take_h, ch, cl)
    dmin = jnp.minimum(dl, dh)

    tok_loss = 1.25 * dmin
    loss = jnp.sum(jnp.reshape(tok_loss, (BN // G, G)), axis=1,
                   keepdims=True) * (1.0 / G)

    j_ref[...] = jnp.broadcast_to(j.astype(jnp.int32), (BN, 8))
    loss_ref[...] = loss


_NC = 2
_NS = 16
_NW = _NC * _NS
_BPW = N // _NW

_EP = 128


@functools.cache
def _gather_rows_kernel():
    mesh = plsc.VectorSubcoreMesh(core_axis_name="c", subcore_axis_name="s")

    @functools.partial(
        pl.kernel,
        mesh=mesh,
        out_type=jax.ShapeDtypeStruct((N, _EP), jnp.float32),
        scratch_types=[
            pltpu.VMEM((_BPW,), jnp.int32),
            pltpu.VMEM((_BPW, _EP), jnp.float32),
            pltpu.SemaphoreType.DMA,
        ],
    )
    def _gather_rows(table_hbm, idx_hbm, out_hbm, idx_v, rows_v, sem):
        wid = lax.axis_index("s") * _NC + lax.axis_index("c")
        base = wid * _BPW
        pltpu.sync_copy(idx_hbm.at[pl.ds(base, _BPW)], idx_v)
        pltpu.async_copy(table_hbm.at[idx_v], rows_v, sem).wait()
        pltpu.sync_copy(rows_v, out_hbm.at[pl.ds(base, _BPW)])

    return _gather_rows


def kernel(feature, W):
    f = feature.reshape(N, E)
    wt = W.T
    j2d, loss2d, w_pad = pl.pallas_call(
        _vq_body,
        grid=(N // BN,),
        in_specs=[
            pl.BlockSpec((BN, E), lambda i: (i, 0)),
            pl.BlockSpec((E, K), lambda i: (0, 0)),
            pl.BlockSpec((K, E), lambda i: (0, 0)),
        ],
        out_specs=[
            pl.BlockSpec((BN, 8), lambda i: (i, 0)),
            pl.BlockSpec((BN // G, 1), lambda i: (i, 0)),
            pl.BlockSpec((K, _EP), lambda i: (0, 0)),
        ],
        out_shape=[
            jax.ShapeDtypeStruct((N, 8), jnp.int32),
            jax.ShapeDtypeStruct((N // G, 1), jnp.float32),
            jax.ShapeDtypeStruct((K, _EP), jnp.float32),
        ],
        scratch_shapes=[pltpu.VMEM((1, K), jnp.float32)],
    )(f, wt, W)
    j = j2d[:, 0]
    out = _gather_rows_kernel()(w_pad, j)[:, :E]
    return loss2d.reshape(N // G), out.reshape(-1, G * E)

# --- scband reference (transcript-rebuilt; emitter-appended) ---
"""Pipeline reference for scband-grassmerge-83554293776903 (READ-ONLY COPY).

The authoritative reference and input builder live on the scoring server;
editing this copy changes nothing except your own understanding.
"""

import jax, jax.numpy as jnp
import numpy as np

EMBEDDING_DIM = 64
FEATURE_LENGTH = 256
NUM_CODES = 512


def setup_inputs(seed: int = 0) -> dict:
    key = jax.random.key(seed)
    k1, k2 = jax.random.split(key)
    feature = jax.random.normal(k1, (1024, FEATURE_LENGTH), dtype=jnp.float32)
    # learned codebook: encoder.dict.weight, shape [K, embedding_dim]
    W = jax.random.normal(k2, (NUM_CODES, EMBEDDING_DIM), dtype=jnp.float32) * 0.1
    return {"feature": feature, "W": W}


def reference(feature, W):
    # Faithful translation of GRASSMerge.vqlizationWithLoss
    f = feature.reshape(-1, EMBEDDING_DIM)

    def L2_dist(a, b):
        return (a - b) ** 2

    # pairwise squared L2 distances [N, K], nearest-code index via min(1)[1]
    d = L2_dist(f[:, None, :], W[None, :, :]).sum(2)
    j = jnp.argmin(d, axis=1)
    W_j = W[j]
    out = W_j.reshape(-1, FEATURE_LENGTH)
    f_sg = jax.lax.stop_gradient(f)
    W_j_sg = jax.lax.stop_gradient(W_j)
    loss = L2_dist(f, W_j_sg).sum(1) + L2_dist(f_sg, W_j).sum(1) * 0.25
    loss = loss.reshape(-1, FEATURE_LENGTH // EMBEDDING_DIM)
    loss = loss.mean(1)
    return (loss, out)

if __name__ == "__main__":
    import jax
    _d = setup_inputs()
    print(jax.jit(kernel)(*tuple(_d.values())))

</pallas_src>

<mosaic_0001>
#map = affine_map<(d0, d1) -> (0, 0)>
#map1 = affine_map<(d0, d1) -> (0)>
module attributes {stable_mosaic.version = 14 : i64} {
  func.func @_gather_rows(%arg0: i32, %arg1: i32, %arg2: memref<512x128xf32, #tpu.memory_space<hbm>>, %arg3: memref<4096xi32, #tpu.memory_space<hbm>>, %arg4: memref<4096x128xf32, #tpu.memory_space<hbm>>, %arg5: memref<128xi32, #tpu.memory_space<vmem>>, %arg6: memref<128x128xf32, #tpu.memory_space<vmem>>, %arg7: memref<!tpu.dma_semaphore, #tpu.memory_space<semaphore_mem>>) attributes {dimension_semantics = [#tpu.dimension_semantics<core_parallel>, #tpu.dimension_semantics<subcore_parallel>], iteration_bounds = array<i64: 2, 16>, scalar_prefetch = 0 : i64, scratch_operands = 3 : i64, tpu.core_type = #tpu.core_type<sc_vector_subcore>, window_params = [{transform_indices = #map}, {transform_indices = #map1}, {transform_indices = #map}]} {
    %mul3A = arith.constant 2 : i32
    %mul3A_0 = arith.muli %arg1, %mul3A : i32
    %add3A = arith.addi %mul3A_0, %arg0 : i32
    %mul3A_1 = arith.constant 128 : i32
    %mul3A_2 = arith.muli %add3A, %mul3A_1 : i32
    "tpu.region"() ({
      %run_scoped3A = tpu.sem_alloc : memref<!tpu.dma_semaphore, #tpu.memory_space<semaphore_mem>>
      %dma_start3A_7 = tpu.memref_slice %arg3[%mul3A_2] : memref<4096xi32, #tpu.memory_space<hbm>> -> memref<128xi32, #tpu.memory_space<hbm>>
      %dma_start3A_8 = tpu.memref_slice %arg3[%mul3A_2] : memref<4096xi32, #tpu.memory_space<hbm>> -> memref<128xi32, #tpu.memory_space<hbm>>
      tpu.enqueue_dma source(%dma_start3A_8 : memref<128xi32, #tpu.memory_space<hbm>>) target(%arg5 : memref<128xi32, #tpu.memory_space<vmem>>) target_semaphore(%run_scoped3A : memref<!tpu.dma_semaphore, #tpu.memory_space<semaphore_mem>>)
      %dma_wait3A_9 = tpu.memref_slice %arg3[%mul3A_2] : memref<4096xi32, #tpu.memory_space<hbm>> -> memref<128xi32, #tpu.memory_space<hbm>>
      %dma_wait3A_10 = tpu.memref_slice %arg3[%mul3A_2] : memref<4096xi32, #tpu.memory_space<hbm>> -> memref<128xi32, #tpu.memory_space<hbm>>
      tpu.wait_dma2 semaphore(%run_scoped3A : memref<!tpu.dma_semaphore, #tpu.memory_space<semaphore_mem>>) src(%dma_wait3A_10 : memref<128xi32, #tpu.memory_space<hbm>>) dst(%arg5 : memref<128xi32, #tpu.memory_space<vmem>>)
      tpu.yield
    }) : () -> ()
    %dma_start3A = arith.constant 0 : i32
    %dma_start3A_3 = arith.constant 0 : i32
    %dma_start3A_4 = tpu.memref_slice %arg2[%dma_start3A, %dma_start3A_3] : memref<512x128xf32, #tpu.memory_space<hbm>> -> memref<512x128xf32, #tpu.memory_space<hbm>>
    tpu.enqueue_indirect_dma source(%dma_start3A_4 : memref<512x128xf32, #tpu.memory_space<hbm>>) target(%arg6 : memref<128x128xf32, #tpu.memory_space<vmem>>) offsets(%arg5 : memref<128xi32, #tpu.memory_space<vmem>>) semaphore(%arg7 : memref<!tpu.dma_semaphore, #tpu.memory_space<semaphore_mem>>)
    %dma_wait3A = arith.constant 0 : i32
    %dma_wait3A_5 = arith.constant 0 : i32
    %dma_wait3A_6 = tpu.memref_slice %arg2[%dma_wait3A, %dma_wait3A_5] : memref<512x128xf32, #tpu.memory_space<hbm>> -> memref<512x128xf32, #tpu.memory_space<hbm>>
    tpu.wait_indirect_dma semaphore(%arg7 : memref<!tpu.dma_semaphore, #tpu.memory_space<semaphore_mem>>) src(%dma_wait3A_6 : memref<512x128xf32, #tpu.memory_space<hbm>>) dst(%arg6 : memref<128x128xf32, #tpu.memory_space<vmem>>)
    "tpu.region"() ({
      %run_scoped3A = tpu.sem_alloc : memref<!tpu.dma_semaphore, #tpu.memory_space<semaphore_mem>>
      %dma_start3A_7 = arith.constant 0 : i32
      %dma_start3A_8 = tpu.memref_slice %arg4[%mul3A_2, %dma_start3A_7] : memref<4096x128xf32, #tpu.memory_space<hbm>> -> memref<128x128xf32, #tpu.memory_space<hbm>>
      %dma_start3A_9 = arith.constant 0 : i32
      %dma_start3A_10 = tpu.memref_slice %arg4[%mul3A_2, %dma_start3A_9] : memref<4096x128xf32, #tpu.memory_space<hbm>> -> memref<128x128xf32, #tpu.memory_space<hbm>>
      tpu.enqueue_dma source(%arg6 : memref<128x128xf32, #tpu.memory_space<vmem>>) target(%dma_start3A_10 : memref<128x128xf32, #tpu.memory_space<hbm>>) target_semaphore(%run_scoped3A : memref<!tpu.dma_semaphore, #tpu.memory_space<semaphore_mem>>)
      %dma_wait3A_11 = arith.constant 0 : i32
      %dma_wait3A_12 = tpu.memref_slice %arg4[%mul3A_2, %dma_wait3A_11] : memref<4096x128xf32, #tpu.memory_space<hbm>> -> memref<128x128xf32, #tpu.memory_space<hbm>>
      %dma_wait3A_13 = arith.constant 0 : i32
      %dma_wait3A_14 = tpu.memref_slice %arg4[%mul3A_2, %dma_wait3A_13] : memref<4096x128xf32, #tpu.memory_space<hbm>> -> memref<128x128xf32, #tpu.memory_space<hbm>>
      tpu.wait_dma2 semaphore(%run_scoped3A : memref<!tpu.dma_semaphore, #tpu.memory_space<semaphore_mem>>) src(%arg6 : memref<128x128xf32, #tpu.memory_space<vmem>>) dst(%dma_wait3A_14 : memref<128x128xf32, #tpu.memory_space<hbm>>)
      tpu.yield
    }) : () -> ()
    return
  }
}

module attributes {stable_mosaic.version = 14 : i64} {
  func.func @_vq_body(%arg0: i32, %arg1: memref<512x64xf32, #tpu.memory_space<vmem>>, %arg2: memref<64x512xf32, #tpu.memory_space<vmem>>, %arg3: memref<512x64xf32, #tpu.memory_space<vmem>>, %arg4: memref<512x8xi32, #tpu.memory_space<vmem>>, %arg5: memref<128x1xf32, #tpu.memory_space<vmem>>, %arg6: memref<512x128xf32, #tpu.memory_space<vmem>>, %arg7: memref<1x512xf32, #tpu.memory_space<vmem>>) attributes {dimension_semantics = [#tpu.dimension_semantics<arbitrary>], iteration_bounds = array<i64: 8>, scalar_prefetch = 0 : i64, scratch_operands = 1 : i64, tpu.core_type = #tpu.core_type<tc>, window_params = [{transform_indices = @transform_0, window_bounds = array<i64: 512, 64>}, {pipeline_mode = #tpu.pipeline_mode<synchronous>, transform_indices = @transform_1, window_bounds = array<i64: 64, 512>}, {pipeline_mode = #tpu.pipeline_mode<synchronous>, transform_indices = @transform_2, window_bounds = array<i64: 512, 64>}, {transform_indices = @transform_3, window_bounds = array<i64: 512, 8>}, {transform_indices = @transform_4, window_bounds = array<i64: 128, 1>}, {pipeline_mode = #tpu.pipeline_mode<synchronous>, transform_indices = @transform_5, window_bounds = array<i64: 512, 128>}]} {
    %eq3A = arith.constant 0 : i32
    %eq3A_0 = arith.cmpi eq, %arg0, %eq3A : i32
    %convert_element_type3A = arith.extui %eq3A_0 : i1 to i32
    %cond3A = arith.constant 0 : i32
    %cond3A_1 = arith.cmpi ne, %convert_element_type3A, %cond3A : i32
    scf.if %cond3A_1 {
      %get3A_82 = arith.constant 0 : index
      %get3A_83 = arith.constant 0 : index
      %get3A_84 = vector.load %arg2[%get3A_82, %get3A_83] : memref<64x512xf32, #tpu.memory_space<vmem>>, vector<64x512xf32>
      %mul3A_85 = arith.mulf %get3A_84, %get3A_84 : vector<64x512xf32>
      %reduce_sum3A_86 = arith.constant dense<0.000000e+00> : vector<512xf32>
      %reduce_sum3A_87 = vector.multi_reduction <add>, %mul3A_85, %reduce_sum3A_86 [0] : vector<64x512xf32> to vector<512xf32>
      %broadcast_in_dim3A_88 = vector.shape_cast %reduce_sum3A_87 : vector<512xf32> to vector<1x512xf32>
      %swap3A_89 = arith.constant 0 : index
      %swap3A_90 = arith.constant 0 : index
      %swap3A_91 = vector.load %arg7[%swap3A_89, %swap3A_90] : memref<1x512xf32, #tpu.memory_space<vmem>>, vector<1x512xf32>
      tpu.vector_store %arg7[%swap3A_89, %swap3A_90], %broadcast_in_dim3A_88 {strides = array<i32>} : memref<1x512xf32, #tpu.memory_space<vmem>>, vector<1x512xf32>,
      %get3A_92 = arith.constant 0 : index
      %get3A_93 = arith.constant 0 : index
      %get3A_94 = vector.load %arg3[%get3A_92, %get3A_93] : memref<512x64xf32, #tpu.memory_space<vmem>>, vector<512x64xf32>
      %jit3A_95 = arith.constant 0 : i32
      %convert_element_type3A_96 = arith.sitofp %jit3A_95 : i32 to f32
      %pad3A = vector.broadcast %convert_element_type3A_96 : f32 to vector<512x64xf32>
      %pad3A_97 = tpu.concatenate %get3A_94, %pad3A in 1 : vector<512x64xf32>, vector<512x64xf32> -> vector<512x128xf32>
      %swap3A_98 = arith.constant 0 : index
      %swap3A_99 = arith.constant 0 : index
      %swap3A_100 = vector.load %arg6[%swap3A_98, %swap3A_99] : memref<512x128xf32, #tpu.memory_space<vmem>>, vector<512x128xf32>
      tpu.vector_store %arg6[%swap3A_98, %swap3A_99], %pad3A_97 {strides = array<i32>} : memref<512x128xf32, #tpu.memory_space<vmem>>, vector<512x128xf32>,
    } else {
    }
    %get3A = arith.constant 0 : index
    %get3A_2 = arith.constant 0 : index
    %get3A_3 = vector.load %arg1[%get3A, %get3A_2] : memref<512x64xf32, #tpu.memory_space<vmem>>, vector<512x64xf32>
    %get3A_4 = arith.constant 0 : index
    %get3A_5 = arith.constant 0 : index
    %get3A_6 = vector.load %arg2[%get3A_4, %get3A_5] : memref<64x512xf32, #tpu.memory_space<vmem>>, vector<64x512xf32>
    %get3A_7 = arith.constant 0 : index
    %get3A_8 = arith.constant 0 : index
    %get3A_9 = vector.load %arg3[%get3A_7, %get3A_8] : memref<512x64xf32, #tpu.memory_space<vmem>>, vector<512x64xf32>
    %dot_general3A = arith.constant dense<0.000000e+00> : vector<512x512xf32>
    %dot_general3A_10 = tpu.matmul %get3A_3, %get3A_6, %dot_general3A {dimension_numbers = #tpu.dot_dimension_numbers<[1], [0], [0], [1], [0, 0, 1, 1], [], []>, precision = #tpu.contract_precision<fp32>, transpose_lhs_hint = false} : vector<512x64xf32>, vector<64x512xf32>, vector<512x512xf32> -> vector<512x512xf32>
    %get3A_11 = arith.constant 0 : index
    %get3A_12 = arith.constant 0 : index
    %get3A_13 = vector.load %arg7[%get3A_11, %get3A_12] : memref<1x512xf32, #tpu.memory_space<vmem>>, vector<1x512xf32>
    %mul3A = arith.constant 2.000000e+00 : f32
    %mul3A_14 = vector.broadcast %mul3A : f32 to vector<512x512xf32>
    %mul3A_15 = arith.mulf %mul3A_14, %dot_general3A_10 : vector<512x512xf32>
    %sub3A = vector.broadcast %get3A_13 : vector<1x512xf32> to vector<512x512xf32>
    %sub3A_16 = arith.subf %sub3A, %mul3A_15 : vector<512x512xf32>
    %iota3A = tpu.iota {dimensions = array<i32: 1>} : vector<512x512xi32>
    %convert_element_type3A_17 = arith.sitofp %iota3A : vector<512x512xi32> to vector<512x512xf32>
    %reduce_min3A = arith.constant dense<0x7F800000> : vector<512xf32>
    %reduce_min3A_18 = vector.multi_reduction <minimumf>, %sub3A_16, %reduce_min3A [1] : vector<512x512xf32> to vector<512xf32>
    %broadcast_in_dim3A = vector.shape_cast %reduce_min3A_18 : vector<512xf32> to vector<512x1xf32>
    %eq3A_19 = vector.broadcast %broadcast_in_dim3A : vector<512x1xf32> to vector<512x512xf32>
    %eq3A_20 = arith.cmpf oeq, %sub3A_16, %eq3A_19 : vector<512x512xf32>
    %jit3A = arith.constant 512 : i32
    %convert_element_type3A_21 = arith.sitofp %jit3A : i32 to f32
    %broadcast_in_dim3A_22 = vector.broadcast %convert_element_type3A_21 : f32 to vector<512x512xf32>
    %select_n3A = arith.select %eq3A_20, %convert_element_type3A_17, %broadcast_in_dim3A_22 : vector<512x512xi1>, vector<512x512xf32>
    %reduce_min3A_23 = arith.constant dense<0x7F800000> : vector<512xf32>
    %reduce_min3A_24 = vector.multi_reduction <minimumf>, %select_n3A, %reduce_min3A_23 [1] : vector<512x512xf32> to vector<512xf32>
    %broadcast_in_dim3A_25 = vector.shape_cast %reduce_min3A_24 : vector<512xf32> to vector<512x1xf32>
    %eq3A_26 = vector.broadcast %broadcast_in_dim3A_25 : vector<512x1xf32> to vector<512x512xf32>
    %eq3A_27 = arith.cmpf oeq, %convert_element_type3A_17, %eq3A_26 : vector<512x512xf32>
    %jit3A_28 = arith.constant 3.000000e+38 : f32
    %broadcast_in_dim3A_29 = vector.broadcast %jit3A_28 : f32 to vector<512x512xf32>
    %select_n3A_30 = arith.select %eq3A_27, %broadcast_in_dim3A_29, %sub3A_16 : vector<512x512xi1>, vector<512x512xf32>
    %reduce_min3A_31 = arith.constant dense<0x7F800000> : vector<512xf32>
    %reduce_min3A_32 = vector.multi_reduction <minimumf>, %select_n3A_30, %reduce_min3A_31 [1] : vector<512x512xf32> to vector<512xf32>
    %broadcast_in_dim3A_33 = vector.shape_cast %reduce_min3A_32 : vector<512xf32> to vector<512x1xf32>
    %eq3A_34 = vector.broadcast %broadcast_in_dim3A_33 : vector<512x1xf32> to vector<512x512xf32>
    %eq3A_35 = arith.cmpf oeq, %select_n3A_30, %eq3A_34 : vector<512x512xf32>
    %jit3A_36 = arith.constant 512 : i32
    %convert_element_type3A_37 = arith.sitofp %jit3A_36 : i32 to f32
    %broadcast_in_dim3A_38 = vector.broadcast %convert_element_type3A_37 : f32 to vector<512x512xf32>
    %select_n3A_39 = arith.select %eq3A_35, %convert_element_type3A_17, %broadcast_in_dim3A_38 : vector<512x512xi1>, vector<512x512xf32>
    %reduce_min3A_40 = arith.constant dense<0x7F800000> : vector<512xf32>
    %reduce_min3A_41 = vector.multi_reduction <minimumf>, %select_n3A_39, %reduce_min3A_40 [1] : vector<512x512xf32> to vector<512xf32>
    %broadcast_in_dim3A_42 = vector.shape_cast %reduce_min3A_41 : vector<512xf32> to vector<512x1xf32>
    %min3A = arith.minimumf %broadcast_in_dim3A_25, %broadcast_in_dim3A_42 : vector<512x1xf32>
    %max3A = arith.maximumf %broadcast_in_dim3A_25, %broadcast_in_dim3A_42 : vector<512x1xf32>
    %eq3A_43 = vector.broadcast %min3A : vector<512x1xf32> to vector<512x512xf32>
    %eq3A_44 = arith.cmpf oeq, %convert_element_type3A_17, %eq3A_43 : vector<512x512xf32>
    %convert_element_type3A_45 = arith.extui %eq3A_44 : vector<512x512xi1> to vector<512x512xi32>
    %convert_element_type3A_46 = arith.sitofp %convert_element_type3A_45 : vector<512x512xi32> to vector<512x512xf32>
    %eq3A_47 = vector.broadcast %max3A : vector<512x1xf32> to vector<512x512xf32>
    %eq3A_48 = arith.cmpf oeq, %convert_element_type3A_17, %eq3A_47 : vector<512x512xf32>
    %convert_element_type3A_49 = arith.extui %eq3A_48 : vector<512x512xi1> to vector<512x512xi32>
    %convert_element_type3A_50 = arith.sitofp %convert_element_type3A_49 : vector<512x512xi32> to vector<512x512xf32>
    %dot_general3A_51 = arith.constant dense<0.000000e+00> : vector<512x64xf32>
    %dot_general3A_52 = tpu.matmul %convert_element_type3A_46, %get3A_9, %dot_general3A_51 {dimension_numbers = #tpu.dot_dimension_numbers<[1], [0], [0], [1], [0, 0, 1, 1], [], []>, precision = #tpu.contract_precision<fp32>, transpose_lhs_hint = false} : vector<512x512xf32>, vector<512x64xf32>, vector<512x64xf32> -> vector<512x64xf32>
    %dot_general3A_53 = arith.constant dense<0.000000e+00> : vector<512x64xf32>
    %dot_general3A_54 = tpu.matmul %convert_element_type3A_50, %get3A_9, %dot_general3A_53 {dimension_numbers = #tpu.dot_dimension_numbers<[1], [0], [0], [1], [0, 0, 1, 1], [], []>, precision = #tpu.contract_precision<fp32>, transpose_lhs_hint = false} : vector<512x512xf32>, vector<512x64xf32>, vector<512x64xf32> -> vector<512x64xf32>
    %sub3A_55 = arith.subf %get3A_3, %dot_general3A_52 : vector<512x64xf32>
    %integer_pow3A = arith.mulf %sub3A_55, %sub3A_55 : vector<512x64xf32>
    %reduce_sum3A = arith.constant dense<0.000000e+00> : vector<512xf32>
    %reduce_sum3A_56 = vector.multi_reduction <add>, %integer_pow3A, %reduce_sum3A [1] : vector<512x64xf32> to vector<512xf32>
    %broadcast_in_dim3A_57 = vector.shape_cast %reduce_sum3A_56 : vector<512xf32> to vector<512x1xf32>
    %sub3A_58 = arith.subf %get3A_3, %dot_general3A_54 : vector<512x64xf32>
    %integer_pow3A_59 = arith.mulf %sub3A_58, %sub3A_58 : vector<512x64xf32>
    %reduce_sum3A_60 = arith.constant dense<0.000000e+00> : vector<512xf32>
    %reduce_sum3A_61 = vector.multi_reduction <add>, %integer_pow3A_59, %reduce_sum3A_60 [1] : vector<512x64xf32> to vector<512xf32>
    %broadcast_in_dim3A_62 = vector.shape_cast %reduce_sum3A_61 : vector<512xf32> to vector<512x1xf32>
    %lt3A = arith.cmpf olt, %broadcast_in_dim3A_62, %broadcast_in_dim3A_57 : vector<512x1xf32>
    %select_n3A_63 = arith.select %lt3A, %max3A, %min3A : vector<512x1xi1>, vector<512x1xf32>
    %min3A_64 = arith.minimumf %broadcast_in_dim3A_57, %broadcast_in_dim3A_62 : vector<512x1xf32>
    %mul3A_65 = arith.constant 1.250000e+00 : f32
    %mul3A_66 = vector.broadcast %mul3A_65 : f32 to vector<512x1xf32>
    %mul3A_67 = arith.mulf %mul3A_66, %min3A_64 : vector<512x1xf32>
    %reshape3A = vector.shape_cast %mul3A_67 : vector<512x1xf32> to vector<128x4xf32>
    %reduce_sum3A_68 = arith.constant dense<0.000000e+00> : vector<128xf32>
    %reduce_sum3A_69 = vector.multi_reduction <add>, %reshape3A, %reduce_sum3A_68 [1] : vector<128x4xf32> to vector<128xf32>
    %broadcast_in_dim3A_70 = vector.shape_cast %reduce_sum3A_69 : vector<128xf32> to vector<128x1xf32>
    %mul3A_71 = arith.constant 2.500000e-01 : f32
    %mul3A_72 = vector.broadcast %mul3A_71 : f32 to vector<128x1xf32>
    %mul3A_73 = arith.mulf %broadcast_in_dim3A_70, %mul3A_72 : vector<128x1xf32>
    %convert_element_type3A_74 = arith.fptosi %select_n3A_63 : vector<512x1xf32> to vector<512x1xi32>
    %broadcast_in_dim3A_75 = vector.shape_cast %convert_element_type3A_74 : vector<512x1xi32> to vector<512x1xi32>
    %broadcast_in_dim3A_76 = vector.broadcast %broadcast_in_dim3A_75 : vector<512x1xi32> to vector<512x8xi32>
    %swap3A = arith.constant 0 : index
    %swap3A_77 = arith.constant 0 : index
    %swap3A_78 = vector.load %arg4[%swap3A, %swap3A_77] : memref<512x8xi32, #tpu.memory_space<vmem>>, vector<512x8xi32>
    tpu.vector_store %arg4[%swap3A, %swap3A_77], %broadcast_in_dim3A_76 {strides = array<i32>} : memref<512x8xi32, #tpu.memory_space<vmem>>, vector<512x8xi32>,
    %swap3A_79 = arith.constant 0 : index
    %swap3A_80 = arith.constant 0 : index
    %swap3A_81 = vector.load %arg5[%swap3A_79, %swap3A_80] : memref<128x1xf32, #tpu.memory_space<vmem>>, vector<128x1xf32>
    tpu.vector_store %arg5[%swap3A_79, %swap3A_80], %mul3A_73 {strides = array<i32>} : memref<128x1xf32, #tpu.memory_space<vmem>>, vector<128x1xf32>,
    return
  }
  func.func @transform_0(%arg0: i32) -> (i32, i32) {
    %c0_i32 = arith.constant 0 : i32
    %c0_i32_0 = arith.constant 0 : i32
    return %arg0, %c0_i32 : i32, i32
  }
  func.func @transform_1(%arg0: i32) -> (i32, i32) {
    %c0_i32 = arith.constant 0 : i32
    %c0_i32_0 = arith.constant 0 : i32
    %c0_i32_1 = arith.constant 0 : i32
    return %c0_i32, %c0_i32_0 : i32, i32
  }
  func.func @transform_2(%arg0: i32) -> (i32, i32) {
    %c0_i32 = arith.constant 0 : i32
    %c0_i32_0 = arith.constant 0 : i32
    %c0_i32_1 = arith.constant 0 : i32
    return %c0_i32, %c0_i32_0 : i32, i32
  }
  func.func @transform_3(%arg0: i32) -> (i32, i32) {
    %c0_i32 = arith.constant 0 : i32
    %c0_i32_0 = arith.constant 0 : i32
    return %arg0, %c0_i32 : i32, i32
  }
  func.func @transform_4(%arg0: i32) -> (i32, i32) {
    %c0_i32 = arith.constant 0 : i32
    %c0_i32_0 = arith.constant 0 : i32
    return %arg0, %c0_i32 : i32, i32
  }
  func.func @transform_5(%arg0: i32) -> (i32, i32) {
    %c0_i32 = arith.constant 0 : i32
    %c0_i32_0 = arith.constant 0 : i32
    %c0_i32_1 = arith.constant 0 : i32
    return %c0_i32, %c0_i32_0 : i32, i32
  }
}

</mosaic_0001>

<sc_bundles>
// kernel: kernel.4.cloned.1.call-start
scs
__scs_entry_jumppad:
0x0: {  	(pc) =	sbr.rel $0x88, $3  }
0x1: {  	(tag) =	ssettag $0x0;
	lr =	simm.s32 $0x1  }
0x2: {  	[smem:$0x3F9F] =	sst lr;
	_ =	strace $0xD0000000  }
0x3: {  	_ = 	snop  }
0x4: {  	_ = 	snop  }
0x5: {  	_ = 	snop  }
0x6: {  	_ = 	snop  }
0x7: {  	_ = 	snop  }
__scs_overlays_trampoline_lowered:
0x8: {  	[smem:$0x3FAE] =	sst s0  }
0x9: {  	[smem:$0x3FAF] =	sst s1  }
0xa: {  	[smem:$0x3FB0] =	sst s2  }
0xb: {  	[smem:$0x3FB1] =	sst s3  }
0xc: {  	[smem:$0x3FB2] =	sst s4  }
0xd: {  	[smem:$0x3FB3] =	sst s5  }
0xe: {  	[smem:$0x3FB4] =	sst s6  }
0xf: {  	[smem:$0x3FB5] =	sst s7  }
0x10: {  	[smem:$0x3FB6] =	sst s8  }
0x11: {  	[smem:$0x3FB7] =	sst s9;
	s0 =	simm.s32 @!p0 $0x0  }
0x12: {  	s1 =	sld [smem:$0x3F9D];
	s0 =	simm.s32 @p0 $0x1  }
0x13: {  	[smem:$0x3FB8] =	sst s0;
	s0 =	simm.s32 @!p1 $0x0  }
0x14: {  	s2 =	sld [smem:$0x3F9C];
	s0 =	simm.s32 @p1 $0x1  }
0x15: {  	[smem:$0x3FB9] =	sst s0;
	s0 =	simm.s32 @!p2 $0x0  }
0x16: {  	s3 =	sld [smem:$0x3FDB];
	s0 =	simm.s32 @p2 $0x1  }
0x17: {  	s4 =	simm.s32 $0x1BF5;
	[smem:$0x3FBB] =	sst s0  }
0x18: {  	s0 =	sld [smem:$0x3F9E];
	_ =	swait.ge [sflag:s4], $0x0  }
0x19: {  	s7 =	sld [smem:$0x3F9F]  }
0x1a: {  	s8 =	sadd.s32 $0xFFFFE003, lr  }
0x1b: {  	s9 =	sadd.s32 $0xFFFFFEF7, lr;
	s5 =	simm.s32 $0xFFFFFFFF;
	p2 =	slt.u32 s8, $0xFFFFF086  }
0x1c: {  	p1 =	slt.u32 s9, $0xF7A;
	s5 =	simm.s32 @!p2 $0x0  }
0x1d: {  	s5 =	simm.s32 @p1 $0x1;
	p0 =	seq.s32 s7, s2  }
0x1e: {  	s7 =	smul.u32 @!p0 $0xF7A, s2;
	p2 =	seq.s32 @!p0 s5, $0x0  }
0x1f: {  	s9 =	smul.u32 $0xF7A, s1;
	s8 =	simm.s32 @!p0 $0x1BF5;
	p2 =	por !p2, p0  }
0x20: {  	[sflag:s8] =	ssyncset.s32 @!p0 $0xFFFFF086;
	s6 =	sadd.s32 @!p0 s3, s7;
	s7 =	simm.s32 @!p0 $0x108  }
0x21: {  	s3 =	sadd.s32 s3, s9;
	s6 =	sadd.s32 @!p0 $0x88, s6;
	s7 =	simm.s32 @p2 $0x1082  }
0x22: {  	[simem:s7], [sflag:s8] =	dma.local @!p0 [hbm:s6], $0xF7A  }
0x23: {  	s9 =	sor.u32 $0xD0000000, s2;
	s6 =	simm.s32 $0x108;
	_ =	swait.ge @!p0 [sflag:s8], $0x0  }
0x24: {  	s3 =	sadd.s32 $0x88, s3;
	s6 =	simm.s32 @!p1 $0x1082;
	[sflag:s4] =	ssyncset.s32 $0xFFFFF086  }
0x25: {  	[simem:s6], [sflag:s4] =	dma.local [hbm:s3], $0xF7A  }
0x26: {  	[smem:$0x3F9F] =	sst s1;
	(tag) =	ssettag s2;
	_ =	strace s9  }
0x27: {  	s1 =	sld [smem:$0x3FAF]  }
0x28: {  	s2 =	sld [smem:$0x3FB0]  }
0x29: {  	s4 =	sld [smem:$0x3FB2]  }
0x2a: {  	p0 =	seq.s32 s5, $0x0;
	s5 =	sld [smem:$0x3FB3]  }
0x2b: {  	s6 =	sld [smem:$0x3FB4]  }
0x2c: {  	s7 =	sld [smem:$0x3FB5]  }
0x2d: {  	s3 =	simm.s32 $0x108;
	s8 =	sld [smem:$0x3FB6]  }
0x2e: {  	s3 =	simm.s32 @!p0 $0x1082;
	s9 =	sld [smem:$0x3FB7]  }
0x2f: {  	lr =	sadd.s32 s0, s3;
	s0 =	sld [smem:$0x3FAE]  }
0x30: {  	s3 =	sld [smem:$0x3FB1]  }
0x31: {  	[smem:$0x3FBA] =	sst s10  }
0x32: {  	s10 =	sld [smem:$0x3FB8];
	_ =	sdelay $0x3  }
0x33: {  	p0 =	seq.s32 s10, $0x1;
	s10 =	sld [smem:$0x3FBA];
	_ =	sdelay $0x3  }
0x34: {  	[smem:$0x3FBA] =	sst s10  }
0x35: {  	s10 =	sld [smem:$0x3FB9];
	_ =	sdelay $0x3  }
0x36: {  	p1 =	seq.s32 s10, $0x1;
	s10 =	sld [smem:$0x3FBA];
	_ =	sdelay $0x3  }
0x37: {  	[smem:$0x3FBA] =	sst s10  }
0x38: {  	s10 =	sld [smem:$0x3FBB]  }
0x39: {  	_ = 	snop;
	(pc) =	sbr.ind lr, $3  }
0x3a: {  	_ = 	snop  }
0x3b: {  	_ = 	snop  }
0x3c: {  	p2 =	seq.s32 s10, $0x1;
	s10 =	sld [smem:$0x3FBA]  }
0x3d: {  	_ =	shalt  }
0x3e: {  	_ =	shalt  }
0x3f: {  	_ =	shalt  }
0x40: {  	_ =	shalt  }
0x41: {  	_ =	shalt  }
0x42: {  	_ =	shalt  }
0x43: {  	_ =	shalt  }
0x44: {  	_ =	shalt  }
0x45: {  	_ =	shalt  }
0x46: {  	_ =	shalt  }
0x47: {  	_ =	shalt  }
0x48: {  	_ =	shalt  }
0x49: {  	_ =	shalt  }
0x4a: {  	_ =	shalt  }
0x4b: {  	_ =	shalt  }
0x4c: {  	_ =	shalt  }
0x4d: {  	_ =	shalt  }
0x4e: {  	_ =	shalt  }
0x4f: {  	_ =	shalt  }
0x50: {  	_ =	shalt  }
0x51: {  	_ =	shalt  }
0x52: {  	_ =	shalt  }
0x53: {  	_ =	shalt  }
0x54: {  	_ =	shalt  }
0x55: {  	_ =	shalt  }
0x56: {  	_ =	shalt  }
0x57: {  	_ =	shalt  }
0x58: {  	_ =	shalt  }
0x59: {  	_ =	shalt  }
0x5a: {  	_ =	shalt  }
0x5b: {  	_ =	shalt  }
0x5c: {  	_ =	shalt  }
0x5d: {  	_ =	shalt  }
0x5e: {  	_ =	shalt  }
0x5f: {  	_ =	shalt  }
0x60: {  	_ =	shalt  }
0x61: {  	_ =	shalt  }
0x62: {  	_ =	shalt  }
0x63: {  	_ =	shalt  }
0x64: {  	_ =	shalt  }
0x65: {  	_ =	shalt  }
0x66: {  	_ =	shalt  }
0x67: {  	_ =	shalt  }
0x68: {  	_ =	shalt  }
0x69: {  	_ =	shalt  }
0x6a: {  	_ =	shalt  }
0x6b: {  	_ =	shalt  }
0x6c: {  	_ =	shalt  }
0x6d: {  	_ =	shalt  }
0x6e: {  	_ =	shalt  }
0x6f: {  	_ =	shalt  }
0x70: {  	_ =	shalt  }
0x71: {  	_ =	shalt  }
0x72: {  	_ =	shalt  }
0x73: {  	_ =	shalt  }
0x74: {  	_ =	shalt  }
0x75: {  	_ =	shalt  }
0x76: {  	_ =	shalt  }
0x77: {  	_ =	shalt  }
0x78: {  	_ =	shalt  }
0x79: {  	_ =	shalt  }
0x7a: {  	_ =	shalt  }
0x7b: {  	_ =	shalt  }
0x7c: {  	_ =	shalt  }
0x7d: {  	_ =	shalt  }
0x7e: {  	_ =	shalt  }
0x7f: {  	_ =	shalt  }
0x80: {  	_ =	shalt  }
0x81: {  	_ =	shalt  }
0x82: {  	_ =	shalt  }
0x83: {  	_ =	shalt  }
0x84: {  	_ =	shalt  }
0x85: {  	_ =	shalt  }
0x86: {  	_ =	shalt  }
0x87: {  	_ =	shalt  }
.Lfunc_end0:
.L_simem_size_0:
called_computation_lowered:
.L_overlay_start_0:
0x88: {  	s2 =	sld [smem:$0x3FD9]  }
0x89: {  	s3 =	sld [smem:$0x3FFE];
	_ =	sdelay $0x1  }
0x8a: {  	s1 =	srdreg.scid  }
0x8b: {  	s0 =	sand.u32 $0x1, s1  }
0x8c: {  	s14 =	sshll.u32 s0, $0xA;
	s2 =	sadd.s32 s3, s2  }
0x8d: {  	s2 =	sadd.s32 s2, s14  }
0x8e: {  	[smem:$0x3FC6] =	sst s2  }
0x8f: {  	_ = 	snop  }
0x90: {  	s2 =	sld [smem:$0x3FD0];
	_ =	sdelay $0x2  }
0x91: {  	s15 =	simm.s32 $0xA;
	s4 =	simm.s32 $0x10  }
0x92: {  	[smem:s4], [sflag:s15] =	dma.local [hbm:s2], $0x1  }
0x93: {  	_ =	swait.eq [sflag:s15], $0x1  }
0x94: {  	[sflag:s15] =	ssyncset.done $0x0  }
0x95: {  	[sflag:s15] =	ssyncadd.s32 $0xFFFFFFFF  }
0x96: {  	s16 =	sld [smem:$0x11];
	(tm) =	ssettm $0x1  }
0x97: {  	s17 =	sld [smem:$0x3FFB];
	_ =	sdelay $0x3  }
0x98: {  	_ =	strace s17  }
0x99: {  	s3 =	sld [smem:$0x3FFC];
	_ =	sdelay $0x3  }
0x9a: {  	_ =	strace s3  }
0x9b: {  	s3 =	sld [smem:$0x3FFD];
	_ =	sdelay $0x3  }
0x9c: {  	_ =	strace s3  }
0x9d: {  	_ =	strace $0x8FFFFFFF  }
0x9e: {  	s18 =	sld [smem:$0x3FDB];
	_ =	sdelay $0x1  }
0x9f: {  	s19 =	simm.s32 $_scs_section_size  }
0xa0: {  	s5 =	simm.s32 $_size__tile_overlayer_lowered;
	s6 =	simm.s32 $_tile_overlayer_lowered  }
0xa1: {  	s22 =	simm.s32 $0x1BFF;
	s21 =	sshll.u32 s6, $0x1;
	s3 =	sadd.s32 s19, s18  }
0xa2: {  	s7 =	simm.s32 $0x0;
	s20 =	sshll.u32 s5, $0x1;
	s5 =	sadd.s32 s21, s3  }
0xa3: {  	[timem:s7], [sflag:s22] =	dma.local [hbm:s5], s20  }
0xa4: {  	_ =	swait.ge [sflag:s22], s20  }
0xa5: {  	s4 =	ssub.s32 $0x0, s20;
	[sflag:s22] =	ssyncset.done $0x0  }
0xa6: {  	[sflag:s22] =	ssyncadd.s32 s4;
	_ =	sdelay $0x1  }
0xa7: {  	s23 =	simm.s32 $0x1B8B  }
0xa8: {  	_ =	swait.ge [sflag:s23], $0x1  }
0xa9: {  	[sflag:s23] =	ssyncset.done $0x0  }
0xaa: {  	s25 =	simm.s32 $0x1B8E;
	s24 =	sld [smem:$0x3FFE];
	[sflag:s23] =	ssyncadd.s32 $0xFFFFFFFF  }
0xab: {  	s26 =	simm.s32 $execute0_lowered;
	[smem:$0x3FD2] =	sst s25  }
0xac: {  	s5 =	sshll.u32 s26, $0x1;
	_ =	strace $0x80000046;
	[dreg:$0x1] =	wrdreg $0xFFFFFFFF  }
0xad: {  	s28 =	simm.s32 $_size_execute0_lowered;
	s3 =	sadd.s32 s3, s5;
	[dreg:$0x0] =	wrdreg $0x0  }
0xae: {  	s5 =	sshll.u32 s28, $0x1;
	[dreg:$0x2] =	wrdreg s3  }
0xaf: {  	[dreg:$0x3] =	wrdreg s5  }
0xb0: {  	[dreg:$0x4] =	wrdreg $0xC0  }
0xb1: {  	_ =	task [dreg:s7], $0x5FFFF  }
0xb2: {  	[dreg:$0x1] =	wrdreg $0xFFFFFFFF  }
0xb3: {  	[dreg:$0x0] =	wrdreg $0x60  }
0xb4: {  	[dreg:$0x2] =	wrdreg s16  }
0xb5: {  	[dreg:$0x3] =	wrdreg s24  }
0xb6: {  	[dreg:$0x4] =	wrdreg $0x9  }
0xb7: {  	_ =	task.clear_ibuf [dreg:s7], $0x5FFFF;
	_ =	strace $0x90000046  }
0xb8: {  	s29 =	simm.s32 $0x9;
	_ =	strace $0x80000048  }
0xb9: {  	_ =	swait.ge [sflag:s29], $0x1  }
0xba: {  	[sflag:s29] =	ssyncadd.s32 $0xFFFFFFFF  }
0xbb: {  	_ =	strace $0x90000048  }
0xbc: {  	_ =	sfence  }
0xbd: {  	s30 =	sld [smem:$0x0];
	_ =	sdelay $0x2  }
0xbe: {  	s31 =	sshll.u32 s1, $0xD;
	s1 =	sshrl.u32 s1, $0x2  }
0xbf: {  	s3 =	sand.u32 $0x4000, s31;
	s1 =	sadd.s32 s1, s30  }
0xc0: {  	s0 =	sor.u32 s3, s0;
	s1 =	sshll.u32 s1, $0x11  }
0xc1: {  	s0 =	sor.u32 s1, s0  }
0xc2: {  	s0 =	sadd.s32 $0x8F2B, s0  }
0xc3: {  	[sflag:s0] =	ssyncadd.remote.s32 $0x1  }
0xc4: {  	_ =	sfence.sel $0xFFFF  }
0xc5: {  	[dreg:$0x0] =	wrdreg $0xFFFFFFFF;
	(pc) =	sbr.abs _section_cstart, $3  }
0xc6: {  	[dreg:$0x1] =	wrdreg $0xFFFFFFFF  }
0xc7: {  	_ =	task.clear_ibuf [dreg:s7], $0x2FFFF;
	_ =	strace $0x9FFFFFFF  }
0xc8: {  	(tm) =	ssettm $0x7FFFFFFF  }
0xc9: {  	_ =	shalt  }
tec
execute0_lowered:
.L_overlay_start_1:
0x0: {  	(tag) =	ssettag $0x1  }
0x1: {  	s1 =	srdreg.scid;
	s2 =	rddreg [dreg:$0x0]  }
0x2: {  	s0 =	stileid.u32;
	s8 =	rddreg [dreg:$0x1];
	s6 =	sand.u32 $0x1, s1  }
0x3: {  	s3 =	simm.s32 $0x0;
	s4 =	sshll.u32 s0, $0x8;
	s5 =	sshll.u32 s6, $0x7  }
0x4: {  	s7 =	simm.s32 $0x1;
	[smem:$0x7FF] =	sst s3;
	s9 =	sor.u32 s5, s4  }
0x5: {  	s1 =	rddreg [dreg:$0x2];
	_ =	strace $0x80000047;
	s4 =	sshrl.u32 s9, $0x3  }
0x6: {  	s10 =	ssub.s32 $0x2, s6;
	s5 =	sadd.s32 s8, s4;
	s4 =	simm.s32 $0x2  }
0x7: {  	[tilespmem:s3], [sflag:$0x2] =	stream.linear.gather [hbm4b:s5+s3], $0x80, $0x38;
	[tilespmem:$0x4080] =	vst v63  }
0x8: {  	s6 =	simm.s32 $0x80;
	s11 =	sshrl.u32 s10, $0x1;
	_ =	swait.ge [sflag:s4], $0x80  }
0x9: {  	s9 =	sshll.u32 s9, $0x4;
	s31 =	ssub.s32 s10, s11;
	[sflag:s4] =	ssyncset.done $0x0  }
0xa: {  	s8 =	sadd.s32 s9, s8;
	s9 =	smax.u32 s31, $0x1;
	[sflag:s4] =	ssyncadd.s32 $0xFFFFFF80  }
0xb: {  	[tilespmem:s6], [sflag:$0x1] =	stream.indirect.gather [hbm4b:s2+s6], $0x80, s3, s6, $0xb8;
	[tilespmem:$0x4080] =	vst v63  }
0xc: {  	p0 =	sne.s32 s9, $0x1;
	_ =	swait.ge [sflag:s7], $0x4000  }
.Ltmp0:
0xd: {  	[sflag:s7] =	ssyncset.done $0x0;
	(pc) =	sbr.rel @!p0 .LBB2_2-.Ltmp0, $4  }
0xe: {  	s8 =	sadd.s32 $0x200, s8;
	[sflag:s7] =	ssyncadd.s32 $0xFFFFC000  }
0xf: {  	[hbm4b:s8+s3] =	stream.linear.scatter [tilespmem:s6], [sflag:$0x2], $0x4000, $0x38;
	[tilespmem:$0x4080] =	vst v63  }
0x10: {  	_ =	swait.ge [sflag:s4], $0x4000  }
0x11: {  	s9 =	sadd.s32 $0xFFFFFFFF, s9;
	[sflag:s4] =	ssyncset.done $0x0  }
.LBB2_1:
0x12: {  	p0 =	sne.s32 s9, $0x1;
	s9 =	sadd.s32 $0xFFFFFFFF, s9;
	[sflag:s4] =	ssyncadd.s32 $0xFFFFC000  }
0x13: {  	[tilespmem:s3], [sflag:$0x2] =	stream.linear.gather [hbm4b:s5+s3], $0x80, $0x38;
	[tilespmem:$0x4080] =	vst v63  }
0x14: {  	_ =	swait.ge [sflag:s4], $0x80  }
0x15: {  	[sflag:s4] =	ssyncset.done $0x0  }
0x16: {  	[sflag:s4] =	ssyncadd.s32 $0xFFFFFF80  }
0x17: {  	[tilespmem:s6], [sflag:$0x1] =	stream.indirect.gather [hbm4b:s2+s6], $0x80, s3, s6, $0xb8;
	[tilespmem:$0x4080] =	vst v63  }
0x18: {  	_ =	swait.ge [sflag:s7], $0x4000  }
.Ltmp1:
0x19: {  	[sflag:s7] =	ssyncset.done $0x0;
	(pc) =	sbr.rel @p0 .LBB2_1-.Ltmp1, $4  }
0x1a: {  	[sflag:s7] =	ssyncadd.s32 $0xFFFFC000  }
0x1b: {  	[hbm4b:s8+s3] =	stream.linear.scatter [tilespmem:s6], [sflag:$0x2], $0x4000, $0x38;
	[tilespmem:$0x4080] =	vst v63  }
0x1c: {  	_ =	swait.ge [sflag:s4], $0x4000  }
0x1d: {  	[sflag:s4] =	ssyncset.done $0x0  }
.LBB2_2:
0x1e: {  	[sflag:s4] =	ssyncadd.s32 $0xFFFFC000  }
0x1f: {  	_ =	sfence.sel $0x180000  }
0x20: {  	[bflag:$0x0] =	sbarrier.arrive $0xFFFF  }
0x21: {  	p0 =	sne.s32 s0, $0x0;
	_ =	strace $0x90000047  }
0x22: {  	s0 =	sadd.s32 @!p0 $0x100000, s1;
	[bflag:$0x2] =	sbarrier.arrive $0xFFFF  }
0x23: {  	[sflag:s0] =	ssyncadd.tile.s32 @!p0 $0x1;
	_ =	shalt  }
.Lfunc_end2:
_tile_overlayer_lowered:
.L_overlay_start_2:
0x24: {  	(tag) =	ssettag $0x2  }
0x25: {  	s0 =	rddreg [dreg:$0x0];
	s2 =	stileid.u32  }
0x26: {  	s1 =	rddreg [dreg:$0x1];
	p0 =	sne.s32 s2, $0x0  }
0x27: {  	s3 =	rddreg [dreg:$0x2];
	[bflag:$0x3] =	sbarrier.arrive $0xFFFF;
	s2 =	simm.s32 @!p0 $0x1C02  }
0x28: {  	[timem:s3], [sflag:s2] =	dma.local @!p0 [hbm:s0], s1  }
0x29: {  	s0 =	simm.s32 @!p0 $0x2  }
0x2a: {  	_ =	swait.ge @!p0 [sflag:s0], s1  }
0x2b: {  	s1 =	ssub.s32 @!p0 $0x0, s1;
	[sflag:s0] =	ssyncset.done @!p0 $0x0  }
0x2c: {  	[sflag:s0] =	ssyncadd.s32 @!p0 s1  }
0x2d: {  	[bflag:$0x3] =	sbarrier.arrive $0xFFFF  }
0x2e: {  	_ =	shalt  }

</sc_bundles>
